<compile_context>
chip_gen: v7x
topology: tpu7x:2x2x1
jax: 0.10.2.dev20260603
libtpu: 0.0.44.dev20260713+nightly
codegen_flags: <defaults>
</compile_context>

<pallas_src>
import functools

import jax
import jax.numpy as jnp
from jax import lax
from jax.experimental import pallas as pl
from jax.experimental.pallas import tpu as pltpu
from jax.experimental.pallas import tpu_sc as plsc

_S = 64
_ROWS = _S + 1
_PAD = 72
_D = 128
_PER_W = 8
_NW = _S // _PER_W


def _sc_gather_body(node_hbm, ids_hbm, table_hbm, out_hbm,
                    idx_v, rows_v, nidx_v, nrow_v, sem):
    wid = lax.axis_index("s")

    @pl.when(wid < _NW)
    def _():
        base = pl.multiple_of(wid * _PER_W, _PER_W)
        pltpu.sync_copy(ids_hbm.at[pl.ds(base, _PER_W)], idx_v)
        pltpu.async_copy(table_hbm.at[idx_v], rows_v, sem).wait()
        pltpu.sync_copy(rows_v, out_hbm.at[pl.ds(base, _PER_W)])

    @pl.when(wid == _NW)
    def _():
        pltpu.sync_copy(node_hbm, nidx_v)
        pltpu.async_copy(table_hbm.at[nidx_v], nrow_v, sem).wait()
        pltpu.sync_copy(nrow_v, out_hbm.at[pl.ds(_S, 1)])


@functools.partial(
    pl.kernel,
    out_type=jax.ShapeDtypeStruct((_PAD, _D), jnp.float32),
    mesh=plsc.VectorSubcoreMesh(core_axis_name="c", subcore_axis_name="s",
                                num_cores=1),
    scratch_types=[
        pltpu.VMEM((_PER_W,), jnp.int32),
        pltpu.VMEM((_PER_W, _D), jnp.float32),
        pltpu.VMEM((1,), jnp.int32),
        pltpu.VMEM((1, _D), jnp.float32),
        pltpu.SemaphoreType.DMA,
    ],
)
def _sc_gather(node_hbm, ids_hbm, table_hbm, out_hbm,
               idx_v, rows_v, nidx_v, nrow_v, sem):
    _sc_gather_body(node_hbm, ids_hbm, table_hbm, out_hbm,
                    idx_v, rows_v, nidx_v, nrow_v, sem)


def _tc_dense_body(rows_ref, wq, bq, wk, bk, wv, bv, out_ref):
    row_id2 = lax.broadcasted_iota(jnp.int32, (_PAD, _D), 0)
    r = jnp.where(row_id2 < _ROWS, rows_ref[...], 0.0)
    self_row = r[_S:_S + 1]
    q = jnp.dot(self_row, wq[...],
                preferred_element_type=jnp.float32) + bq[...]
    k = jnp.dot(r, wk[...],
                preferred_element_type=jnp.float32) + bk[...]
    v = jnp.dot(r, wv[...],
                preferred_element_type=jnp.float32) + bv[...]

    s = lax.dot_general(q, k, (((1,), (1,)), ((), ())),
                        preferred_element_type=jnp.float32)
    col_id = lax.broadcasted_iota(jnp.int32, (1, _PAD), 1)
    s = jnp.where(col_id < _ROWS, s, -jnp.inf)
    m = jnp.max(s)
    e = jnp.exp(s - m)
    p = e / jnp.sum(e)
    mix = jnp.dot(p, v, preferred_element_type=jnp.float32)

    f = jnp.tanh(mix)
    norm = jnp.maximum(jnp.sqrt(jnp.sum(f * f)), 1e-12)
    out_ref[...] = f / norm


def kernel(table, Wq, bq, Wk, bk, Wv, bv, node, neigh_ids):
    node1 = jnp.reshape(node, (1,)).astype(jnp.int32)
    gathered = _sc_gather(node1, neigh_ids, table)
    return pl.pallas_call(
        _tc_dense_body,
        out_shape=jax.ShapeDtypeStruct((1, _D), jnp.float32),
        in_specs=[
            pl.BlockSpec(memory_space=pltpu.VMEM),
            pl.BlockSpec(memory_space=pltpu.VMEM),
            pl.BlockSpec(memory_space=pltpu.VMEM),
            pl.BlockSpec(memory_space=pltpu.VMEM),
            pl.BlockSpec(memory_space=pltpu.VMEM),
            pl.BlockSpec(memory_space=pltpu.VMEM),
            pl.BlockSpec(memory_space=pltpu.VMEM),
        ],
        out_specs=pl.BlockSpec(memory_space=pltpu.VMEM),
    )(gathered,
      Wq, jnp.reshape(bq, (1, _D)),
      Wk, jnp.reshape(bk, (1, _D)),
      Wv, jnp.reshape(bv, (1, _D)))

# --- scband reference (transcript-rebuilt; emitter-appended) ---
"""Pipeline reference for scband-sage-layer2-20529943675143 (READ-ONLY COPY).

The authoritative reference and input builder live on the scoring server;
editing this copy changes nothing except your own understanding.
"""

import jax, jax.numpy as jnp
import numpy as np

N_NODES = 100000
EMBED_DIM = 128
NUM_SAMPLE = 64


def setup_inputs(seed: int = 0) -> dict:
    key = jax.random.key(seed)
    k_tab, k_wq, k_wk, k_wv, k_bq, k_bk, k_bv, k_neigh = jax.random.split(key, 8)
    scale = 1.0 / np.sqrt(EMBED_DIM)
    table = jax.random.normal(k_tab, (N_NODES, EMBED_DIM), dtype=jnp.float32)
    Wq = jax.random.uniform(k_wq, (EMBED_DIM, EMBED_DIM), dtype=jnp.float32, minval=-scale, maxval=scale)
    Wk = jax.random.uniform(k_wk, (EMBED_DIM, EMBED_DIM), dtype=jnp.float32, minval=-scale, maxval=scale)
    Wv = jax.random.uniform(k_wv, (EMBED_DIM, EMBED_DIM), dtype=jnp.float32, minval=-scale, maxval=scale)
    bq = jax.random.uniform(k_bq, (EMBED_DIM,), dtype=jnp.float32, minval=-scale, maxval=scale)
    bk = jax.random.uniform(k_bk, (EMBED_DIM,), dtype=jnp.float32, minval=-scale, maxval=scale)
    bv = jax.random.uniform(k_bv, (EMBED_DIM,), dtype=jnp.float32, minval=-scale, maxval=scale)
    node = jnp.array(12345, dtype=jnp.int32)
    neigh_ids = jax.random.randint(k_neigh, (NUM_SAMPLE,), 0, N_NODES, dtype=jnp.int32)
    return {"table": table, "Wq": Wq, "bq": bq, "Wk": Wk, "bk": bk, "Wv": Wv, "bv": bv, "node": node, "neigh_ids": neigh_ids}


def reference(table, Wq, bq, Wk, bk, Wv, bv, node, neigh_ids):
    # AttnAggregator2.forward
    self_feats = jnp.take(table, jnp.reshape(node, (1,)), axis=0)          # [1, D]  (id2feat([node]))
    samp_neighs = jnp.take(table, neigh_ids, axis=0)                        # [S, D]  (id2feat(to_neighs))
    Q = self_feats @ Wq + bq                                                # [1, D]
    kv_in = jnp.concatenate([self_feats, samp_neighs], axis=0)              # [S+1, D]
    K = kv_in @ Wk + bk
    V = kv_in @ Wv + bv
    attn_score = Q @ K.T                                                    # [1, S+1]
    attn_score = jax.nn.softmax(attn_score, axis=-1)
    mix_feats = attn_score @ V                                              # [1, D]
    # SageLayer2.forward
    feats = jnp.tanh(mix_feats)
    norm = jnp.maximum(jnp.linalg.norm(feats, ord=2, axis=-1, keepdims=True), 1e-12)
    feats = feats / norm
    return feats

if __name__ == "__main__":
    import jax
    _d = setup_inputs()
    print(jax.jit(kernel)(*tuple(_d.values())))

</pallas_src>

<mosaic_0001>
#map = affine_map<(d0, d1) -> (0)>
#map1 = affine_map<(d0, d1) -> (0, 0)>
module attributes {stable_mosaic.version = 14 : i64} {
  func.func @_sc_gather(%arg0: i32, %arg1: i32, %arg2: memref<1xi32, #tpu.memory_space<hbm>>, %arg3: memref<64xi32, #tpu.memory_space<hbm>>, %arg4: memref<100000x128xf32, #tpu.memory_space<hbm>>, %arg5: memref<72x128xf32, #tpu.memory_space<hbm>>, %arg6: memref<8xi32, #tpu.memory_space<vmem>>, %arg7: memref<8x128xf32, #tpu.memory_space<vmem>>, %arg8: memref<1xi32, #tpu.memory_space<vmem>>, %arg9: memref<1x128xf32, #tpu.memory_space<vmem>>, %arg10: memref<!tpu.dma_semaphore, #tpu.memory_space<semaphore_mem>>) attributes {dimension_semantics = [#tpu.dimension_semantics<core_parallel>, #tpu.dimension_semantics<subcore_parallel>], iteration_bounds = array<i64: 1, 16>, scalar_prefetch = 0 : i64, scratch_operands = 5 : i64, tpu.core_type = #tpu.core_type<sc_vector_subcore>, window_params = [{transform_indices = #map}, {transform_indices = #map}, {transform_indices = #map1}, {transform_indices = #map1}]} {
    %lt3A = arith.constant 8 : i32
    %lt3A_0 = arith.cmpi slt, %arg1, %lt3A : i32
    %convert_element_type3A = arith.extui %lt3A_0 : i1 to i32
    %cond3A = arith.constant 0 : i32
    %cond3A_1 = arith.cmpi ne, %convert_element_type3A, %cond3A : i32
    scf.if %cond3A_1 {
      %mul3A = arith.constant 8 : i32
      %mul3A_6 = arith.muli %arg1, %mul3A : i32
      %multiple_of3A = tpu.assume_multiple %mul3A_6, 8 : i32
      "tpu.region"() ({
        %run_scoped3A = tpu.sem_alloc : memref<!tpu.dma_semaphore, #tpu.memory_space<semaphore_mem>>
        %dma_start3A_11 = tpu.memref_slice %arg3[%multiple_of3A] : memref<64xi32, #tpu.memory_space<hbm>> -> memref<8xi32, #tpu.memory_space<hbm>>
        %dma_start3A_12 = tpu.memref_slice %arg3[%multiple_of3A] : memref<64xi32, #tpu.memory_space<hbm>> -> memref<8xi32, #tpu.memory_space<hbm>>
        tpu.enqueue_dma source(%dma_start3A_12 : memref<8xi32, #tpu.memory_space<hbm>>) target(%arg6 : memref<8xi32, #tpu.memory_space<vmem>>) target_semaphore(%run_scoped3A : memref<!tpu.dma_semaphore, #tpu.memory_space<semaphore_mem>>)
        %dma_wait3A_13 = tpu.memref_slice %arg3[%multiple_of3A] : memref<64xi32, #tpu.memory_space<hbm>> -> memref<8xi32, #tpu.memory_space<hbm>>
        %dma_wait3A_14 = tpu.memref_slice %arg3[%multiple_of3A] : memref<64xi32, #tpu.memory_space<hbm>> -> memref<8xi32, #tpu.memory_space<hbm>>
        tpu.wait_dma2 semaphore(%run_scoped3A : memref<!tpu.dma_semaphore, #tpu.memory_space<semaphore_mem>>) src(%dma_wait3A_14 : memref<8xi32, #tpu.memory_space<hbm>>) dst(%arg6 : memref<8xi32, #tpu.memory_space<vmem>>)
        tpu.yield
      }) : () -> ()
      %dma_start3A = arith.constant 0 : i32
      %dma_start3A_7 = arith.constant 0 : i32
      %dma_start3A_8 = tpu.memref_slice %arg4[%dma_start3A, %dma_start3A_7] : memref<100000x128xf32, #tpu.memory_space<hbm>> -> memref<100000x128xf32, #tpu.memory_space<hbm>>
      tpu.enqueue_indirect_dma source(%dma_start3A_8 : memref<100000x128xf32, #tpu.memory_space<hbm>>) target(%arg7 : memref<8x128xf32, #tpu.memory_space<vmem>>) offsets(%arg6 : memref<8xi32, #tpu.memory_space<vmem>>) semaphore(%arg10 : memref<!tpu.dma_semaphore, #tpu.memory_space<semaphore_mem>>)
      %dma_wait3A = arith.constant 0 : i32
      %dma_wait3A_9 = arith.constant 0 : i32
      %dma_wait3A_10 = tpu.memref_slice %arg4[%dma_wait3A, %dma_wait3A_9] : memref<100000x128xf32, #tpu.memory_space<hbm>> -> memref<100000x128xf32, #tpu.memory_space<hbm>>
      tpu.wait_indirect_dma semaphore(%arg10 : memref<!tpu.dma_semaphore, #tpu.memory_space<semaphore_mem>>) src(%dma_wait3A_10 : memref<100000x128xf32, #tpu.memory_space<hbm>>) dst(%arg7 : memref<8x128xf32, #tpu.memory_space<vmem>>)
      "tpu.region"() ({
        %run_scoped3A = tpu.sem_alloc : memref<!tpu.dma_semaphore, #tpu.memory_space<semaphore_mem>>
        %dma_start3A_11 = arith.constant 0 : i32
        %dma_start3A_12 = tpu.memref_slice %arg5[%multiple_of3A, %dma_start3A_11] : memref<72x128xf32, #tpu.memory_space<hbm>> -> memref<8x128xf32, #tpu.memory_space<hbm>>
        %dma_start3A_13 = arith.constant 0 : i32
        %dma_start3A_14 = tpu.memref_slice %arg5[%multiple_of3A, %dma_start3A_13] : memref<72x128xf32, #tpu.memory_space<hbm>> -> memref<8x128xf32, #tpu.memory_space<hbm>>
        tpu.enqueue_dma source(%arg7 : memref<8x128xf32, #tpu.memory_space<vmem>>) target(%dma_start3A_14 : memref<8x128xf32, #tpu.memory_space<hbm>>) target_semaphore(%run_scoped3A : memref<!tpu.dma_semaphore, #tpu.memory_space<semaphore_mem>>)
        %dma_wait3A_15 = arith.constant 0 : i32
        %dma_wait3A_16 = tpu.memref_slice %arg5[%multiple_of3A, %dma_wait3A_15] : memref<72x128xf32, #tpu.memory_space<hbm>> -> memref<8x128xf32, #tpu.memory_space<hbm>>
        %dma_wait3A_17 = arith.constant 0 : i32
        %dma_wait3A_18 = tpu.memref_slice %arg5[%multiple_of3A, %dma_wait3A_17] : memref<72x128xf32, #tpu.memory_space<hbm>> -> memref<8x128xf32, #tpu.memory_space<hbm>>
        tpu.wait_dma2 semaphore(%run_scoped3A : memref<!tpu.dma_semaphore, #tpu.memory_space<semaphore_mem>>) src(%arg7 : memref<8x128xf32, #tpu.memory_space<vmem>>) dst(%dma_wait3A_18 : memref<8x128xf32, #tpu.memory_space<hbm>>)
        tpu.yield
      }) : () -> ()
    } else {
    }
    %eq3A = arith.constant 8 : i32
    %eq3A_2 = arith.cmpi eq, %arg1, %eq3A : i32
    %convert_element_type3A_3 = arith.extui %eq3A_2 : i1 to i32
    %cond3A_4 = arith.constant 0 : i32
    %cond3A_5 = arith.cmpi ne, %convert_element_type3A_3, %cond3A_4 : i32
    scf.if %cond3A_5 {
      "tpu.region"() ({
        %run_scoped3A = tpu.sem_alloc : memref<!tpu.dma_semaphore, #tpu.memory_space<semaphore_mem>>
        tpu.enqueue_dma source(%arg2 : memref<1xi32, #tpu.memory_space<hbm>>) target(%arg8 : memref<1xi32, #tpu.memory_space<vmem>>) target_semaphore(%run_scoped3A : memref<!tpu.dma_semaphore, #tpu.memory_space<semaphore_mem>>)
        tpu.wait_dma2 semaphore(%run_scoped3A : memref<!tpu.dma_semaphore, #tpu.memory_space<semaphore_mem>>) src(%arg2 : memref<1xi32, #tpu.memory_space<hbm>>) dst(%arg8 : memref<1xi32, #tpu.memory_space<vmem>>)
        tpu.yield
      }) : () -> ()
      %dma_start3A = arith.constant 0 : i32
      %dma_start3A_6 = arith.constant 0 : i32
      %dma_start3A_7 = tpu.memref_slice %arg4[%dma_start3A, %dma_start3A_6] : memref<100000x128xf32, #tpu.memory_space<hbm>> -> memref<100000x128xf32, #tpu.memory_space<hbm>>
      tpu.enqueue_indirect_dma source(%dma_start3A_7 : memref<100000x128xf32, #tpu.memory_space<hbm>>) target(%arg9 : memref<1x128xf32, #tpu.memory_space<vmem>>) offsets(%arg8 : memref<1xi32, #tpu.memory_space<vmem>>) semaphore(%arg10 : memref<!tpu.dma_semaphore, #tpu.memory_space<semaphore_mem>>)
      %dma_wait3A = arith.constant 0 : i32
      %dma_wait3A_8 = arith.constant 0 : i32
      %dma_wait3A_9 = tpu.memref_slice %arg4[%dma_wait3A, %dma_wait3A_8] : memref<100000x128xf32, #tpu.memory_space<hbm>> -> memref<100000x128xf32, #tpu.memory_space<hbm>>
      tpu.wait_indirect_dma semaphore(%arg10 : memref<!tpu.dma_semaphore, #tpu.memory_space<semaphore_mem>>) src(%dma_wait3A_9 : memref<100000x128xf32, #tpu.memory_space<hbm>>) dst(%arg9 : memref<1x128xf32, #tpu.memory_space<vmem>>)
      "tpu.region"() ({
        %run_scoped3A = tpu.sem_alloc : memref<!tpu.dma_semaphore, #tpu.memory_space<semaphore_mem>>
        %dma_start3A_10 = arith.constant 64 : i32
        %dma_start3A_11 = arith.constant 0 : i32
        %dma_start3A_12 = tpu.memref_slice %arg5[%dma_start3A_10, %dma_start3A_11] : memref<72x128xf32, #tpu.memory_space<hbm>> -> memref<1x128xf32, #tpu.memory_space<hbm>>
        %dma_start3A_13 = arith.constant 64 : i32
        %dma_start3A_14 = arith.constant 0 : i32
        %dma_start3A_15 = tpu.memref_slice %arg5[%dma_start3A_13, %dma_start3A_14] : memref<72x128xf32, #tpu.memory_space<hbm>> -> memref<1x128xf32, #tpu.memory_space<hbm>>
        tpu.enqueue_dma source(%arg9 : memref<1x128xf32, #tpu.memory_space<vmem>>) target(%dma_start3A_15 : memref<1x128xf32, #tpu.memory_space<hbm>>) target_semaphore(%run_scoped3A : memref<!tpu.dma_semaphore, #tpu.memory_space<semaphore_mem>>)
        %dma_wait3A_16 = arith.constant 64 : i32
        %dma_wait3A_17 = arith.constant 0 : i32
        %dma_wait3A_18 = tpu.memref_slice %arg5[%dma_wait3A_16, %dma_wait3A_17] : memref<72x128xf32, #tpu.memory_space<hbm>> -> memref<1x128xf32, #tpu.memory_space<hbm>>
        %dma_wait3A_19 = arith.constant 64 : i32
        %dma_wait3A_20 = arith.constant 0 : i32
        %dma_wait3A_21 = tpu.memref_slice %arg5[%dma_wait3A_19, %dma_wait3A_20] : memref<72x128xf32, #tpu.memory_space<hbm>> -> memref<1x128xf32, #tpu.memory_space<hbm>>
        tpu.wait_dma2 semaphore(%run_scoped3A : memref<!tpu.dma_semaphore, #tpu.memory_space<semaphore_mem>>) src(%arg9 : memref<1x128xf32, #tpu.memory_space<vmem>>) dst(%dma_wait3A_21 : memref<1x128xf32, #tpu.memory_space<hbm>>)
        tpu.yield
      }) : () -> ()
    } else {
    }
    return
  }
}

module attributes {stable_mosaic.version = 14 : i64} {
  func.func @_tc_dense_body(%arg0: memref<72x128xf32, #tpu.memory_space<vmem>>, %arg1: memref<128x128xf32, #tpu.memory_space<vmem>>, %arg2: memref<1x128xf32, #tpu.memory_space<vmem>>, %arg3: memref<128x128xf32, #tpu.memory_space<vmem>>, %arg4: memref<1x128xf32, #tpu.memory_space<vmem>>, %arg5: memref<128x128xf32, #tpu.memory_space<vmem>>, %arg6: memref<1x128xf32, #tpu.memory_space<vmem>>, %arg7: memref<1x128xf32, #tpu.memory_space<vmem>>) attributes {dimension_semantics = [], scalar_prefetch = 0 : i64, scratch_operands = 0 : i64, tpu.core_type = #tpu.core_type<tc>} {
    %iota3A = tpu.iota {dimensions = array<i32: 0>} : vector<72x128xi32>
    %lt3A = arith.constant 65 : i32
    %lt3A_0 = vector.broadcast %lt3A : i32 to vector<72x128xi32>
    %lt3A_1 = arith.cmpi slt, %iota3A, %lt3A_0 : vector<72x128xi32>
    %get3A = arith.constant 0 : index
    %get3A_2 = arith.constant 0 : index
    %get3A_3 = vector.load %arg0[%get3A, %get3A_2] : memref<72x128xf32, #tpu.memory_space<vmem>>, vector<72x128xf32>
    %jit3A = arith.constant 0.000000e+00 : f32
    %broadcast_in_dim3A = vector.broadcast %jit3A : f32 to vector<72x128xf32>
    %select_n3A = arith.select %lt3A_1, %get3A_3, %broadcast_in_dim3A : vector<72x128xi1>, vector<72x128xf32>
    %slice3A = vector.extract_strided_slice %select_n3A {offsets = [64, 0], sizes = [1, 128], strides = [1, 1]} : vector<72x128xf32> to vector<1x128xf32>
    %get3A_4 = arith.constant 0 : index
    %get3A_5 = arith.constant 0 : index
    %get3A_6 = vector.load %arg1[%get3A_4, %get3A_5] : memref<128x128xf32, #tpu.memory_space<vmem>>, vector<128x128xf32>
    %dot_general3A = arith.constant dense<0.000000e+00> : vector<1x128xf32>
    %dot_general3A_7 = tpu.matmul %slice3A, %get3A_6, %dot_general3A {dimension_numbers = #tpu.dot_dimension_numbers<[1], [0], [0], [1], [0, 0, 1, 1], [], []>, transpose_lhs_hint = false} : vector<1x128xf32>, vector<128x128xf32>, vector<1x128xf32> -> vector<1x128xf32>
    %get3A_8 = arith.constant 0 : index
    %get3A_9 = arith.constant 0 : index
    %get3A_10 = vector.load %arg2[%get3A_8, %get3A_9] : memref<1x128xf32, #tpu.memory_space<vmem>>, vector<1x128xf32>
    %add3A = arith.addf %dot_general3A_7, %get3A_10 : vector<1x128xf32>
    %get3A_11 = arith.constant 0 : index
    %get3A_12 = arith.constant 0 : index
    %get3A_13 = vector.load %arg3[%get3A_11, %get3A_12] : memref<128x128xf32, #tpu.memory_space<vmem>>, vector<128x128xf32>
    %dot_general3A_14 = arith.constant dense<0.000000e+00> : vector<72x128xf32>
    %dot_general3A_15 = tpu.matmul %select_n3A, %get3A_13, %dot_general3A_14 {dimension_numbers = #tpu.dot_dimension_numbers<[1], [0], [0], [1], [0, 0, 1, 1], [], []>, transpose_lhs_hint = false} : vector<72x128xf32>, vector<128x128xf32>, vector<72x128xf32> -> vector<72x128xf32>
    %get3A_16 = arith.constant 0 : index
    %get3A_17 = arith.constant 0 : index
    %get3A_18 = vector.load %arg4[%get3A_16, %get3A_17] : memref<1x128xf32, #tpu.memory_space<vmem>>, vector<1x128xf32>
    %add3A_19 = vector.broadcast %get3A_18 : vector<1x128xf32> to vector<72x128xf32>
    %add3A_20 = arith.addf %dot_general3A_15, %add3A_19 : vector<72x128xf32>
    %get3A_21 = arith.constant 0 : index
    %get3A_22 = arith.constant 0 : index
    %get3A_23 = vector.load %arg5[%get3A_21, %get3A_22] : memref<128x128xf32, #tpu.memory_space<vmem>>, vector<128x128xf32>
    %dot_general3A_24 = arith.constant dense<0.000000e+00> : vector<72x128xf32>
    %dot_general3A_25 = tpu.matmul %select_n3A, %get3A_23, %dot_general3A_24 {dimension_numbers = #tpu.dot_dimension_numbers<[1], [0], [0], [1], [0, 0, 1, 1], [], []>, transpose_lhs_hint = false} : vector<72x128xf32>, vector<128x128xf32>, vector<72x128xf32> -> vector<72x128xf32>
    %get3A_26 = arith.constant 0 : index
    %get3A_27 = arith.constant 0 : index
    %get3A_28 = vector.load %arg6[%get3A_26, %get3A_27] : memref<1x128xf32, #tpu.memory_space<vmem>>, vector<1x128xf32>
    %add3A_29 = vector.broadcast %get3A_28 : vector<1x128xf32> to vector<72x128xf32>
    %add3A_30 = arith.addf %dot_general3A_25, %add3A_29 : vector<72x128xf32>
    %dot_general3A_31 = arith.constant dense<0.000000e+00> : vector<1x72xf32>
    %dot_general3A_32 = tpu.matmul %add3A, %add3A_20, %dot_general3A_31 {dimension_numbers = #tpu.dot_dimension_numbers<[1], [1], [0], [0], [0, 0, 1, 0], [], []>, transpose_lhs_hint = false} : vector<1x128xf32>, vector<72x128xf32>, vector<1x72xf32> -> vector<1x72xf32>
    %iota3A_33 = tpu.iota {dimensions = array<i32: 1>} : vector<1x72xi32>
    %lt3A_34 = arith.constant 65 : i32
    %lt3A_35 = vector.broadcast %lt3A_34 : i32 to vector<1x72xi32>
    %lt3A_36 = arith.cmpi slt, %iota3A_33, %lt3A_35 : vector<1x72xi32>
    %jit3A_37 = arith.constant 0xFF800000 : f32
    %broadcast_in_dim3A_38 = vector.broadcast %jit3A_37 : f32 to vector<1x72xf32>
    %select_n3A_39 = arith.select %lt3A_36, %dot_general3A_32, %broadcast_in_dim3A_38 : vector<1x72xi1>, vector<1x72xf32>
    %reduce_max3A = vector.shape_cast %select_n3A_39 : vector<1x72xf32> to vector<1x1x72xf32>
    %reduce_max3A_40 = arith.constant dense<0xFF800000> : vector<1xf32>
    %reduce_max3A_41 = vector.multi_reduction <maximumf>, %reduce_max3A, %reduce_max3A_40 [1, 2] : vector<1x1x72xf32> to vector<1xf32>
    %reduce_max3A_42 = vector.shape_cast %reduce_max3A_41 : vector<1xf32> to vector<1x1x1xf32>
    %reduce_max3A_43 = vector.extract %reduce_max3A_42[0, 0, 0] : f32 from vector<1x1x1xf32>
    %sub3A = vector.broadcast %reduce_max3A_43 : f32 to vector<1x72xf32>
    %sub3A_44 = arith.subf %select_n3A_39, %sub3A : vector<1x72xf32>
    %exp3A = math.exp %sub3A_44 : vector<1x72xf32>
    %reduce_sum3A = vector.shape_cast %exp3A : vector<1x72xf32> to vector<1x1x72xf32>
    %reduce_sum3A_45 = arith.constant dense<0.000000e+00> : vector<1xf32>
    %reduce_sum3A_46 = vector.multi_reduction <add>, %reduce_sum3A, %reduce_sum3A_45 [1, 2] : vector<1x1x72xf32> to vector<1xf32>
    %reduce_sum3A_47 = vector.shape_cast %reduce_sum3A_46 : vector<1xf32> to vector<1x1x1xf32>
    %reduce_sum3A_48 = vector.extract %reduce_sum3A_47[0, 0, 0] : f32 from vector<1x1x1xf32>
    %div3A = vector.broadcast %reduce_sum3A_48 : f32 to vector<1x72xf32>
    %div3A_49 = arith.divf %exp3A, %div3A : vector<1x72xf32>
    %dot_general3A_50 = arith.constant dense<0.000000e+00> : vector<1x128xf32>
    %dot_general3A_51 = tpu.matmul %div3A_49, %add3A_30, %dot_general3A_50 {dimension_numbers = #tpu.dot_dimension_numbers<[1], [0], [0], [1], [0, 0, 1, 1], [], []>, transpose_lhs_hint = false} : vector<1x72xf32>, vector<72x128xf32>, vector<1x128xf32> -> vector<1x128xf32>
    %tanh3A = math.tanh %dot_general3A_51 : vector<1x128xf32>
    %mul3A = arith.mulf %tanh3A, %tanh3A : vector<1x128xf32>
    %reduce_sum3A_52 = vector.shape_cast %mul3A : vector<1x128xf32> to vector<1x1x128xf32>
    %reduce_sum3A_53 = arith.constant dense<0.000000e+00> : vector<1xf32>
    %reduce_sum3A_54 = vector.multi_reduction <add>, %reduce_sum3A_52, %reduce_sum3A_53 [1, 2] : vector<1x1x128xf32> to vector<1xf32>
    %reduce_sum3A_55 = vector.shape_cast %reduce_sum3A_54 : vector<1xf32> to vector<1x1x1xf32>
    %reduce_sum3A_56 = vector.extract %reduce_sum3A_55[0, 0, 0] : f32 from vector<1x1x1xf32>
    %sqrt3A = math.sqrt %reduce_sum3A_56 : f32
    %max3A = arith.constant 9.99999996E-13 : f32
    %max3A_57 = arith.maximumf %sqrt3A, %max3A : f32
    %div3A_58 = vector.broadcast %max3A_57 : f32 to vector<1x128xf32>
    %div3A_59 = arith.divf %tanh3A, %div3A_58 : vector<1x128xf32>
    %swap3A = arith.constant 0 : index
    %swap3A_60 = arith.constant 0 : index
    %swap3A_61 = vector.load %arg7[%swap3A, %swap3A_60] : memref<1x128xf32, #tpu.memory_space<vmem>>, vector<1x128xf32>
    tpu.vector_store %arg7[%swap3A, %swap3A_60], %div3A_59 {strides = array<i32>} : memref<1x128xf32, #tpu.memory_space<vmem>>, vector<1x128xf32>,
    return
  }
}

</mosaic_0001>

<sc_bundles>
// kernel: kernel.4.cloned.1.call-start
scs
__scs_entry_jumppad:
0x0: {  	(pc) =	sbr.rel $0x88, $3  }
0x1: {  	(tag) =	ssettag $0x0;
	lr =	simm.s32 $0x1  }
0x2: {  	[smem:$0x3F98] =	sst lr;
	_ =	strace $0xD0000000  }
0x3: {  	_ = 	snop  }
0x4: {  	_ = 	snop  }
0x5: {  	_ = 	snop  }
0x6: {  	_ = 	snop  }
0x7: {  	_ = 	snop  }
__scs_overlays_trampoline_lowered:
0x8: {  	[smem:$0x3FA7] =	sst s0  }
0x9: {  	[smem:$0x3FA8] =	sst s1  }
0xa: {  	[smem:$0x3FA9] =	sst s2  }
0xb: {  	[smem:$0x3FAA] =	sst s3  }
0xc: {  	[smem:$0x3FAB] =	sst s4  }
0xd: {  	[smem:$0x3FAC] =	sst s5  }
0xe: {  	[smem:$0x3FAD] =	sst s6  }
0xf: {  	[smem:$0x3FAE] =	sst s7  }
0x10: {  	[smem:$0x3FAF] =	sst s8  }
0x11: {  	[smem:$0x3FB0] =	sst s9;
	s0 =	simm.s32 @!p0 $0x0  }
0x12: {  	s1 =	sld [smem:$0x3F96];
	s0 =	simm.s32 @p0 $0x1  }
0x13: {  	[smem:$0x3FB1] =	sst s0;
	s0 =	simm.s32 @!p1 $0x0  }
0x14: {  	s2 =	sld [smem:$0x3F95];
	s0 =	simm.s32 @p1 $0x1  }
0x15: {  	[smem:$0x3FB2] =	sst s0;
	s0 =	simm.s32 @!p2 $0x0  }
0x16: {  	s3 =	sld [smem:$0x3FDB];
	s0 =	simm.s32 @p2 $0x1  }
0x17: {  	s4 =	simm.s32 $0x1BF5;
	[smem:$0x3FB4] =	sst s0  }
0x18: {  	s0 =	sld [smem:$0x3F97];
	_ =	swait.ge [sflag:s4], $0x0  }
0x19: {  	s7 =	sld [smem:$0x3F98]  }
0x1a: {  	s8 =	sadd.s32 $0xFFFFE003, lr  }
0x1b: {  	s9 =	sadd.s32 $0xFFFFFEF7, lr;
	s5 =	simm.s32 $0xFFFFFFFF;
	p2 =	slt.u32 s8, $0xFFFFF086  }
0x1c: {  	p1 =	slt.u32 s9, $0xF7A;
	s5 =	simm.s32 @!p2 $0x0  }
0x1d: {  	s5 =	simm.s32 @p1 $0x1;
	p0 =	seq.s32 s7, s2  }
0x1e: {  	s7 =	smul.u32 @!p0 $0xF7A, s2;
	p2 =	seq.s32 @!p0 s5, $0x0  }
0x1f: {  	s9 =	smul.u32 $0xF7A, s1;
	s8 =	simm.s32 @!p0 $0x1BF5;
	p2 =	por !p2, p0  }
0x20: {  	[sflag:s8] =	ssyncset.s32 @!p0 $0xFFFFF086;
	s6 =	sadd.s32 @!p0 s3, s7;
	s7 =	simm.s32 @!p0 $0x108  }
0x21: {  	s3 =	sadd.s32 s3, s9;
	s6 =	sadd.s32 @!p0 $0x88, s6;
	s7 =	simm.s32 @p2 $0x1082  }
0x22: {  	[simem:s7], [sflag:s8] =	dma.local @!p0 [hbm:s6], $0xF7A  }
0x23: {  	s9 =	sor.u32 $0xD0000000, s2;
	s6 =	simm.s32 $0x108;
	_ =	swait.ge @!p0 [sflag:s8], $0x0  }
0x24: {  	s3 =	sadd.s32 $0x88, s3;
	s6 =	simm.s32 @!p1 $0x1082;
	[sflag:s4] =	ssyncset.s32 $0xFFFFF086  }
0x25: {  	[simem:s6], [sflag:s4] =	dma.local [hbm:s3], $0xF7A  }
0x26: {  	[smem:$0x3F98] =	sst s1;
	(tag) =	ssettag s2;
	_ =	strace s9  }
0x27: {  	s1 =	sld [smem:$0x3FA8]  }
0x28: {  	s2 =	sld [smem:$0x3FA9]  }
0x29: {  	s4 =	sld [smem:$0x3FAB]  }
0x2a: {  	p0 =	seq.s32 s5, $0x0;
	s5 =	sld [smem:$0x3FAC]  }
0x2b: {  	s6 =	sld [smem:$0x3FAD]  }
0x2c: {  	s7 =	sld [smem:$0x3FAE]  }
0x2d: {  	s3 =	simm.s32 $0x108;
	s8 =	sld [smem:$0x3FAF]  }
0x2e: {  	s3 =	simm.s32 @!p0 $0x1082;
	s9 =	sld [smem:$0x3FB0]  }
0x2f: {  	lr =	sadd.s32 s0, s3;
	s0 =	sld [smem:$0x3FA7]  }
0x30: {  	s3 =	sld [smem:$0x3FAA]  }
0x31: {  	[smem:$0x3FB3] =	sst s10  }
0x32: {  	s10 =	sld [smem:$0x3FB1];
	_ =	sdelay $0x3  }
0x33: {  	p0 =	seq.s32 s10, $0x1;
	s10 =	sld [smem:$0x3FB3];
	_ =	sdelay $0x3  }
0x34: {  	[smem:$0x3FB3] =	sst s10  }
0x35: {  	s10 =	sld [smem:$0x3FB2];
	_ =	sdelay $0x3  }
0x36: {  	p1 =	seq.s32 s10, $0x1;
	s10 =	sld [smem:$0x3FB3];
	_ =	sdelay $0x3  }
0x37: {  	[smem:$0x3FB3] =	sst s10  }
0x38: {  	s10 =	sld [smem:$0x3FB4]  }
0x39: {  	_ = 	snop;
	(pc) =	sbr.ind lr, $3  }
0x3a: {  	_ = 	snop  }
0x3b: {  	_ = 	snop  }
0x3c: {  	p2 =	seq.s32 s10, $0x1;
	s10 =	sld [smem:$0x3FB3]  }
0x3d: {  	_ =	shalt  }
0x3e: {  	_ =	shalt  }
0x3f: {  	_ =	shalt  }
0x40: {  	_ =	shalt  }
0x41: {  	_ =	shalt  }
0x42: {  	_ =	shalt  }
0x43: {  	_ =	shalt  }
0x44: {  	_ =	shalt  }
0x45: {  	_ =	shalt  }
0x46: {  	_ =	shalt  }
0x47: {  	_ =	shalt  }
0x48: {  	_ =	shalt  }
0x49: {  	_ =	shalt  }
0x4a: {  	_ =	shalt  }
0x4b: {  	_ =	shalt  }
0x4c: {  	_ =	shalt  }
0x4d: {  	_ =	shalt  }
0x4e: {  	_ =	shalt  }
0x4f: {  	_ =	shalt  }
0x50: {  	_ =	shalt  }
0x51: {  	_ =	shalt  }
0x52: {  	_ =	shalt  }
0x53: {  	_ =	shalt  }
0x54: {  	_ =	shalt  }
0x55: {  	_ =	shalt  }
0x56: {  	_ =	shalt  }
0x57: {  	_ =	shalt  }
0x58: {  	_ =	shalt  }
0x59: {  	_ =	shalt  }
0x5a: {  	_ =	shalt  }
0x5b: {  	_ =	shalt  }
0x5c: {  	_ =	shalt  }
0x5d: {  	_ =	shalt  }
0x5e: {  	_ =	shalt  }
0x5f: {  	_ =	shalt  }
0x60: {  	_ =	shalt  }
0x61: {  	_ =	shalt  }
0x62: {  	_ =	shalt  }
0x63: {  	_ =	shalt  }
0x64: {  	_ =	shalt  }
0x65: {  	_ =	shalt  }
0x66: {  	_ =	shalt  }
0x67: {  	_ =	shalt  }
0x68: {  	_ =	shalt  }
0x69: {  	_ =	shalt  }
0x6a: {  	_ =	shalt  }
0x6b: {  	_ =	shalt  }
0x6c: {  	_ =	shalt  }
0x6d: {  	_ =	shalt  }
0x6e: {  	_ =	shalt  }
0x6f: {  	_ =	shalt  }
0x70: {  	_ =	shalt  }
0x71: {  	_ =	shalt  }
0x72: {  	_ =	shalt  }
0x73: {  	_ =	shalt  }
0x74: {  	_ =	shalt  }
0x75: {  	_ =	shalt  }
0x76: {  	_ =	shalt  }
0x77: {  	_ =	shalt  }
0x78: {  	_ =	shalt  }
0x79: {  	_ =	shalt  }
0x7a: {  	_ =	shalt  }
0x7b: {  	_ =	shalt  }
0x7c: {  	_ =	shalt  }
0x7d: {  	_ =	shalt  }
0x7e: {  	_ =	shalt  }
0x7f: {  	_ =	shalt  }
0x80: {  	_ =	shalt  }
0x81: {  	_ =	shalt  }
0x82: {  	_ =	shalt  }
0x83: {  	_ =	shalt  }
0x84: {  	_ =	shalt  }
0x85: {  	_ =	shalt  }
0x86: {  	_ =	shalt  }
0x87: {  	_ =	shalt  }
.Lfunc_end0:
.L_simem_size_0:
called_computation_lowered:
.L_overlay_start_0:
0x88: {  	s0 =	sld [smem:$0x3FD9]  }
0x89: {  	s1 =	sld [smem:$0x3FFE];
	_ =	sdelay $0x3  }
0x8a: {  	s0 =	sadd.s32 s1, s0  }
0x8b: {  	[smem:$0x3FBF] =	sst s0  }
0x8c: {  	_ = 	snop  }
0x8d: {  	s0 =	sld [smem:$0x3FC9]  }
0x8e: {  	s16 =	sld [smem:$0x3FC2]  }
0x8f: {  	s2 =	sld [smem:$0x3FC1];
	(tm) =	ssettm $0x1  }
0x90: {  	s3 =	sld [smem:$0x3FFB];
	_ =	sdelay $0x3  }
0x91: {  	_ =	strace s3  }
0x92: {  	s3 =	sld [smem:$0x3FFC];
	_ =	sdelay $0x3  }
0x93: {  	_ =	strace s3  }
0x94: {  	s3 =	sld [smem:$0x3FFD];
	_ =	sdelay $0x3  }
0x95: {  	_ =	strace s3  }
0x96: {  	_ =	strace $0x8FFFFFFF  }
0x97: {  	s17 =	sld [smem:$0x3FDB];
	_ =	sdelay $0x1  }
0x98: {  	s4 =	simm.s32 $_scs_section_size  }
0x99: {  	s5 =	simm.s32 $_size__tile_overlayer_lowered;
	s6 =	simm.s32 $_tile_overlayer_lowered  }
0x9a: {  	s20 =	simm.s32 $0x1BFF;
	s19 =	sshll.u32 s6, $0x1;
	s3 =	sadd.s32 s4, s17  }
0x9b: {  	s7 =	simm.s32 $0x0;
	s18 =	sshll.u32 s5, $0x1;
	s5 =	sadd.s32 s19, s3  }
0x9c: {  	[timem:s7], [sflag:s20] =	dma.local [hbm:s5], s18  }
0x9d: {  	_ =	swait.ge [sflag:s20], s18  }
0x9e: {  	s4 =	ssub.s32 $0x0, s18;
	[sflag:s20] =	ssyncset.done $0x0  }
0x9f: {  	[sflag:s20] =	ssyncadd.s32 s4;
	_ =	sdelay $0x1  }
0xa0: {  	s21 =	simm.s32 $0x1B8B  }
0xa1: {  	_ =	swait.ge [sflag:s21], $0x1  }
0xa2: {  	[sflag:s21] =	ssyncset.done $0x0  }
0xa3: {  	s23 =	simm.s32 $0x1B8E;
	s22 =	sld [smem:$0x3FFE];
	[sflag:s21] =	ssyncadd.s32 $0xFFFFFFFF  }
0xa4: {  	s24 =	simm.s32 $execute0_lowered;
	[smem:$0x3FD2] =	sst s23  }
0xa5: {  	s5 =	sshll.u32 s24, $0x1;
	_ =	strace $0x80000046;
	[dreg:$0x1] =	wrdreg $0xFFFFFFFF  }
0xa6: {  	s25 =	simm.s32 $_size_execute0_lowered;
	s3 =	sadd.s32 s3, s5;
	[dreg:$0x0] =	wrdreg $0x0  }
0xa7: {  	s5 =	sshll.u32 s25, $0x1;
	[dreg:$0x2] =	wrdreg s3  }
0xa8: {  	[dreg:$0x3] =	wrdreg s5  }
0xa9: {  	[dreg:$0x4] =	wrdreg $0xC0  }
0xaa: {  	_ =	task [dreg:s7], $0x5FFFF  }
0xab: {  	[dreg:$0x1] =	wrdreg $0xFFFFFFFF  }
0xac: {  	[dreg:$0x0] =	wrdreg $0x60  }
0xad: {  	[dreg:$0x2] =	wrdreg s16  }
0xae: {  	[dreg:$0x3] =	wrdreg s2  }
0xaf: {  	[dreg:$0x4] =	wrdreg s0  }
0xb0: {  	[dreg:$0x5] =	wrdreg s22  }
0xb1: {  	[dreg:$0x6] =	wrdreg $0x9  }
0xb2: {  	_ =	task.clear_ibuf [dreg:s7], $0x7FFFF;
	_ =	strace $0x90000046  }
0xb3: {  	s26 =	simm.s32 $0x9;
	_ =	strace $0x80000048  }
0xb4: {  	_ =	swait.ge [sflag:s26], $0x1  }
0xb5: {  	[sflag:s26] =	ssyncadd.s32 $0xFFFFFFFF  }
0xb6: {  	_ =	strace $0x90000048  }
0xb7: {  	_ =	sfence  }
0xb8: {  	s28 =	sld [smem:$0x0];
	_ =	sdelay $0x1  }
0xb9: {  	s29 =	srdreg.scid  }
0xba: {  	s30 =	sshll.u32 s29, $0xD;
	s31 =	sshrl.u32 s29, $0x2  }
0xbb: {  	s1 =	sand.u32 $0x1, s29;
	s2 =	sand.u32 $0x4000, s30;
	s0 =	sadd.s32 s31, s28  }
0xbc: {  	s1 =	sor.u32 s2, s1;
	s0 =	sshll.u32 s0, $0x11  }
0xbd: {  	s0 =	sor.u32 s0, s1  }
0xbe: {  	s0 =	sadd.s32 $0x8F2B, s0  }
0xbf: {  	[sflag:s0] =	ssyncadd.remote.s32 $0x1  }
0xc0: {  	_ =	sfence.sel $0xFFFF  }
0xc1: {  	[dreg:$0x0] =	wrdreg $0xFFFFFFFF;
	(pc) =	sbr.abs _section_cstart, $3  }
0xc2: {  	[dreg:$0x1] =	wrdreg $0xFFFFFFFF  }
0xc3: {  	_ =	task.clear_ibuf [dreg:s7], $0x2FFFF;
	_ =	strace $0x9FFFFFFF  }
0xc4: {  	(tm) =	ssettm $0x7FFFFFFF  }
0xc5: {  	_ =	shalt  }
tec
execute0_lowered:
.L_overlay_start_1:
0x0: {  	(tag) =	ssettag $0x1  }
0x1: {  	s0 =	rddreg [dreg:$0x0]  }
0x2: {  	s1 =	rddreg [dreg:$0x1]  }
0x3: {  	s2 =	rddreg [dreg:$0x2];
	s3 =	stileid.u32  }
0x4: {  	s4 =	rddreg [dreg:$0x3];
	p0 =	sgt.u32 s3, $0x7  }
0x5: {  	s5 =	rddreg [dreg:$0x4];
	s6 =	simm.s32 $0x0;
	p1 =	sne.s32 @p0 s3, $0x8  }
0x6: {  	[smem:$0x7FF] =	sst s6;
	p1 =	por p1, !p0  }
0x7: {  	_ =	strace $0x80000047;
	s6 =	simm.s32 @!p1 $0x0;
	s7 =	simm.s32 @!p1 $0x480  }
0x8: {  	[tilespmem:s7], [sflag:$0x2] =	stream.linear.gather @!p1 [hbm4b:s0+s6], $0x80, $0x38;
	[tilespmem:$0x580] =	vst v63  }
0x9: {  	s0 =	simm.s32 @!p1 $0x2  }
0xa: {  	_ =	swait.ge @!p1 [sflag:s0], $0x80  }
0xb: {  	[sflag:s0] =	ssyncset.done @!p1 $0x0  }
0xc: {  	s8 =	simm.s32 @!p1 $0x1;
	s9 =	simm.s32 @!p1 $0x500;
	[sflag:s0] =	ssyncadd.s32 @!p1 $0xFFFFFF80  }
0xd: {  	[tilespmem:s9], [sflag:$0x1] =	stream.indirect.gather @!p1 [hbm4b:s2+s8], $0x80, s7, s8, $0xb8;
	[tilespmem:$0x580] =	vst v63  }
0xe: {  	_ =	swait.ge @!p1 [sflag:s8], $0x80  }
0xf: {  	[sflag:s8] =	ssyncset.done @!p1 $0x0  }
0x10: {  	s7 =	sadd.s32 $0x1600, s4;
	[sflag:s8] =	ssyncadd.s32 @!p1 $0xFFFFFF80  }
0x11: {  	[hbm4b:s7+s6] =	stream.linear.scatter @!p1 [tilespmem:s9], [sflag:$0x2], $0x80, $0x38;
	[tilespmem:$0x580] =	vst v63  }
0x12: {  	_ =	swait.ge @!p1 [sflag:s0], $0x80  }
0x13: {  	[sflag:s0] =	ssyncset.done @!p1 $0x0  }
0x14: {  	[sflag:s0] =	ssyncadd.s32 @!p1 $0xFFFFFF80;
	s0 =	sadd.s32 @!p0 s1, s3;
	s1 =	simm.s32 @!p0 $0x0  }
0x15: {  	[tilespmem:s1], [sflag:$0x2] =	stream.linear.gather @!p0 [hbm4b:s0+s1], $0x8, $0x38;
	[tilespmem:$0x580] =	vst v63  }
0x16: {  	s0 =	simm.s32 @!p0 $0x2  }
0x17: {  	_ =	swait.ge @!p0 [sflag:s0], $0x8  }
0x18: {  	[sflag:s0] =	ssyncset.done @!p0 $0x0  }
0x19: {  	s6 =	simm.s32 @!p0 $0x8;
	s7 =	simm.s32 @!p0 $0x80;
	[sflag:s0] =	ssyncadd.s32 @!p0 $0xFFFFFFF8  }
0x1a: {  	[tilespmem:s7], [sflag:$0x1] =	stream.indirect.gather @!p0 [hbm4b:s2+s6], $0x80, s1, s6, $0xb8;
	[tilespmem:$0x580] =	vst v63  }
0x1b: {  	s2 =	simm.s32 @!p0 $0x1  }
0x1c: {  	_ =	swait.ge @!p0 [sflag:s2], $0x400  }
0x1d: {  	s4 =	sadd.s32 $0x1200, s4;
	s6 =	sshll.u32 @!p0 s3, $0x7;
	[sflag:s2] =	ssyncset.done @!p0 $0x0  }
0x1e: {  	s4 =	sadd.s32 @!p0 s4, s6;
	[sflag:s2] =	ssyncadd.s32 @!p0 $0xFFFFFC00  }
0x1f: {  	[hbm4b:s4+s1] =	stream.linear.scatter @!p0 [tilespmem:s7], [sflag:$0x2], $0x400, $0x38;
	[tilespmem:$0x580] =	vst v63  }
0x20: {  	_ =	swait.ge @!p0 [sflag:s0], $0x400  }
0x21: {  	[sflag:s0] =	ssyncset.done @!p0 $0x0  }
0x22: {  	[sflag:s0] =	ssyncadd.s32 @!p0 $0xFFFFFC00  }
0x23: {  	_ =	sfence.sel $0x180000  }
0x24: {  	[bflag:$0x0] =	sbarrier.arrive $0xFFFF  }
0x25: {  	p0 =	sne.s32 s3, $0x0;
	_ =	strace $0x90000047  }
0x26: {  	s0 =	sadd.s32 @!p0 $0x100000, s5;
	[bflag:$0x2] =	sbarrier.arrive $0xFFFF  }
0x27: {  	[sflag:s0] =	ssyncadd.tile.s32 @!p0 $0x1;
	_ =	shalt  }
.Lfunc_end2:
_tile_overlayer_lowered:
.L_overlay_start_2:
0x28: {  	(tag) =	ssettag $0x2  }
0x29: {  	s0 =	rddreg [dreg:$0x0];
	s2 =	stileid.u32  }
0x2a: {  	s1 =	rddreg [dreg:$0x1];
	p0 =	sne.s32 s2, $0x0  }
0x2b: {  	s3 =	rddreg [dreg:$0x2];
	[bflag:$0x3] =	sbarrier.arrive $0xFFFF;
	s2 =	simm.s32 @!p0 $0x1C02  }
0x2c: {  	[timem:s3], [sflag:s2] =	dma.local @!p0 [hbm:s0], s1  }
0x2d: {  	s0 =	simm.s32 @!p0 $0x2  }
0x2e: {  	_ =	swait.ge @!p0 [sflag:s0], s1  }
0x2f: {  	s1 =	ssub.s32 @!p0 $0x0, s1;
	[sflag:s0] =	ssyncset.done @!p0 $0x0  }
0x30: {  	[sflag:s0] =	ssyncadd.s32 @!p0 s1  }
0x31: {  	[bflag:$0x3] =	sbarrier.arrive $0xFFFF  }
0x32: {  	_ =	shalt  }

</sc_bundles>
